<compile_context>
chip_gen: v7x
topology: tpu7x:2x2x1
jax: 0.10.2.dev20260603
libtpu: 0.0.44.dev20260713+nightly
codegen_flags: <defaults>
</compile_context>

<pallas_src>
import functools

import jax
import jax.numpy as jnp
from jax import lax
from jax.experimental import pallas as pl
from jax.experimental.pallas import tpu as pltpu
from jax.experimental.pallas import tpu_sc as plsc

_BM = 2048
_BN = 2048

_NC = 2
_NS = 16
_NW = _NC * _NS


_NSL = 4


def _dist_argmin_body(zb16_ref, z_ref, ct_ref,
                      idx_ref, loss_ref, runmin_ref, runidx_ref, truemin_ref):
    i = pl.program_id(0)
    j = pl.program_id(1)
    zb16 = zb16_ref[...]
    zb = z_ref[...]
    zsq = jnp.sum(zb * zb, axis=1, keepdims=True)
    bs = _BN // _NSL
    bmin = None
    bidx = None
    for s in range(_NSL):
        cb = ct_ref[:, pl.ds(s * bs, bs)]
        m = lax.dot_general(zb16, cb, (((1,), (0,)), ((), ())),
                            preferred_element_type=jnp.float32)
        csq = jnp.sum(cb * cb, axis=0, keepdims=True)
        d = (zsq + csq) - 2.0 * m
        smin = jnp.min(d, axis=1, keepdims=True)
        col = lax.broadcasted_iota(jnp.int32, d.shape, 1)
        sidx = jnp.min(jnp.where(d == smin, col, jnp.int32(2**30)),
                       axis=1, keepdims=True) + s * bs
        if s == 0:
            bmin, bidx = smin, sidx
        else:
            keep = bmin <= smin
            bidx = jnp.where(keep, bidx, sidx)
            bmin = jnp.where(keep, bmin, smin)
    bidx = bidx + j * _BN
    bmin_bf = bmin.astype(jnp.bfloat16).astype(jnp.float32)

    @pl.when(j == 0)
    def _init():
        runmin_ref[...] = bmin_bf
        runidx_ref[...] = bidx
        truemin_ref[...] = bmin

    @pl.when(j > 0)
    def _update():
        better = bmin < runmin_ref[...]
        runidx_ref[...] = jnp.where(better, bidx, runidx_ref[...])
        runmin_ref[...] = jnp.where(better, bmin_bf, runmin_ref[...])
        truemin_ref[...] = jnp.minimum(truemin_ref[...], bmin)

    @pl.when(j == pl.num_programs(1) - 1)
    def _emit():
        idx_ref[...] = runidx_ref[...].reshape(-1)
        s = jnp.sum(truemin_ref[...])

        @pl.when(i == 0)
        def _first():
            loss_ref[0, 0] = s

        @pl.when(i > 0)
        def _acc():
            loss_ref[0, 0] = loss_ref[0, 0] + s


def _dist_argmin(z_flat, ct, interpret=False):
    n, k = z_flat.shape
    nk = ct.shape[1]
    grid = (n // _BM, nk // _BN)
    zb16 = z_flat.astype(jnp.bfloat16)
    return pl.pallas_call(
        _dist_argmin_body,
        grid=grid,
        in_specs=[
            pl.BlockSpec((_BM, k), lambda i, j: (i, 0)),
            pl.BlockSpec((_BM, k), lambda i, j: (i, 0)),
            pl.BlockSpec((k, _BN), lambda i, j: (0, j)),
        ],
        out_specs=[
            pl.BlockSpec((_BM,), lambda i, j: (i,)),
            pl.BlockSpec(memory_space=pltpu.SMEM),
        ],
        out_shape=[
            jax.ShapeDtypeStruct((n,), jnp.int32),
            jax.ShapeDtypeStruct((1, 1), jnp.float32),
        ],
        scratch_shapes=[
            pltpu.VMEM((_BM, 1), jnp.float32),
            pltpu.VMEM((_BM, 1), jnp.int32),
            pltpu.VMEM((_BM, 1), jnp.float32),
        ],
        compiler_params=pltpu.CompilerParams(
            dimension_semantics=("arbitrary", "arbitrary")),
        interpret=interpret,
    )(zb16, z_flat, ct)


def _sc_gather(codebook_padded, idx):
    bn = idx.shape[0]
    d = codebook_padded.shape[1]
    b_per_w = bn // _NW
    nchunk = b_per_w // 128
    idx_r = idx.reshape(_NW, nchunk, 128)
    mesh = plsc.VectorSubcoreMesh(core_axis_name="c", subcore_axis_name="s")

    @functools.partial(
        pl.kernel, mesh=mesh,
        out_type=jax.ShapeDtypeStruct((bn, d), jnp.float32),
        scratch_types=[
            pltpu.VMEM((nchunk, 128), jnp.int32),
            pltpu.VMEM((b_per_w, d), jnp.float32),
            pltpu.SemaphoreType.DMA,
        ],
    )
    def gather_k(table_hbm, idx_hbm, out_hbm, idx_v, rows_v, sem):
        wid = lax.axis_index("s") * _NC + lax.axis_index("c")
        base = wid * b_per_w
        pltpu.sync_copy(idx_hbm.at[wid], idx_v)
        cps = [pltpu.async_copy(table_hbm.at[idx_v.at[c]],
                                rows_v.at[pl.ds(c * 128, 128)], sem)
               for c in range(nchunk)]
        for cp in cps:
            cp.wait()
        pltpu.sync_copy(rows_v, out_hbm.at[pl.ds(base, b_per_w)])

    return gather_k(codebook_padded, idx_r)


def kernel(z, codebook):
    b, c, h, w = z.shape
    zp = jnp.transpose(z, (0, 2, 3, 1))
    z_flat = zp.reshape(-1, c)
    ct = codebook.T
    idx, loss_sum = _dist_argmin(z_flat, ct)
    cb_pad = jnp.pad(codebook, ((0, 0), (0, 128 - c)))
    q_flat = _sc_gather(cb_pad, idx)[:, :c]
    quantized = q_flat.reshape(zp.shape)
    mse = loss_sum[0, 0] / jnp.float32(z.size)
    total_loss = mse + 0.25 * mse
    quantized_st = zp + (quantized - zp)
    quantized_out = jnp.transpose(quantized_st, (0, 3, 1, 2))
    return (jnp.reshape(total_loss, ()), quantized_out, idx)

# --- scband reference (transcript-rebuilt; emitter-appended) ---
"""Pipeline reference for scband-vector-quantizer-18511309046214 (READ-ONLY COPY).

The authoritative reference and input builder live on the scoring server;
editing this copy changes nothing except your own understanding.
"""

import jax, jax.numpy as jnp
import numpy as np

EMBEDDING_DIM = 32
NUM_EMBEDDINGS = 8192
BETA = 0.25


def setup_inputs(seed: int = 0) -> dict:
    key = jax.random.key(seed)
    k1, k2 = jax.random.split(key)
    z = jax.random.normal(k1, (8, EMBEDDING_DIM, 32, 32), dtype=jnp.float32)
    # embedding weight initialized uniform(-1/K, 1/K) as in the torch module
    codebook = jax.random.uniform(
        k2, (NUM_EMBEDDINGS, EMBEDDING_DIM), dtype=jnp.float32,
        minval=-1.0 / NUM_EMBEDDINGS, maxval=1.0 / NUM_EMBEDDINGS)
    return {"z": z, "codebook": codebook}


def reference(z, codebook):
    # z: [B, C, H, W] -> [B, H, W, C]
    zp = jnp.transpose(z, (0, 2, 3, 1))
    z_flat = zp.reshape(-1, EMBEDDING_DIM)
    # squared L2 distances to every codebook entry
    distance = (jnp.sum(z_flat ** 2, axis=1, keepdims=True)
                + jnp.sum(codebook ** 2, axis=1)
                - 2.0 * jnp.matmul(z_flat, codebook.T))
    encoding_indices = jnp.argmin(distance, axis=1)
    # embedding lookup (gather)
    quantized = jnp.take(codebook, encoding_indices, axis=0).reshape(zp.shape)
    embedding_loss = jnp.mean((jax.lax.stop_gradient(quantized) - zp) ** 2)
    quantized_loss = jnp.mean((quantized - jax.lax.stop_gradient(zp)) ** 2)
    total_loss = quantized_loss + BETA * embedding_loss
    # straight-through estimator
    quantized_st = zp + jax.lax.stop_gradient(quantized - zp)
    quantized_out = jnp.transpose(quantized_st, (0, 3, 1, 2))
    return (total_loss, quantized_out, encoding_indices)

if __name__ == "__main__":
    import jax
    _d = setup_inputs()
    print(jax.jit(kernel)(*tuple(_d.values())))

</pallas_src>

<mosaic_0001>
#map = affine_map<(d0, d1) -> (0, 0)>
#map1 = affine_map<(d0, d1) -> (0, 0, 0)>
module attributes {stable_mosaic.version = 14 : i64} {
  func.func @gather_k(%arg0: i32, %arg1: i32, %arg2: memref<8192x128xf32, #tpu.memory_space<hbm>>, %arg3: memref<32x2x128xi32, #tpu.memory_space<hbm>>, %arg4: memref<8192x128xf32, #tpu.memory_space<hbm>>, %arg5: memref<2x128xi32, #tpu.memory_space<vmem>>, %arg6: memref<256x128xf32, #tpu.memory_space<vmem>>, %arg7: memref<!tpu.dma_semaphore, #tpu.memory_space<semaphore_mem>>) attributes {dimension_semantics = [#tpu.dimension_semantics<core_parallel>, #tpu.dimension_semantics<subcore_parallel>], iteration_bounds = array<i64: 2, 16>, scalar_prefetch = 0 : i64, scratch_operands = 3 : i64, tpu.core_type = #tpu.core_type<sc_vector_subcore>, window_params = [{transform_indices = #map}, {transform_indices = #map1}, {transform_indices = #map}]} {
    %mul3A = arith.constant 2 : i32
    %mul3A_0 = arith.muli %arg1, %mul3A : i32
    %add3A = arith.addi %mul3A_0, %arg0 : i32
    %mul3A_1 = arith.constant 256 : i32
    %mul3A_2 = arith.muli %add3A, %mul3A_1 : i32
    "tpu.region"() ({
      %run_scoped3A = tpu.sem_alloc : memref<!tpu.dma_semaphore, #tpu.memory_space<semaphore_mem>>
      %dma_start3A_41 = arith.constant 0 : i32
      %dma_start3A_42 = arith.constant 0 : i32
      %dma_start3A_43 = tpu.memref_slice %arg3[%add3A, %dma_start3A_41, %dma_start3A_42] : memref<32x2x128xi32, #tpu.memory_space<hbm>> -> memref<1x2x128xi32, #tpu.memory_space<hbm>>
      %dma_start3A_44 = tpu.memref_squeeze %dma_start3A_43 : memref<1x2x128xi32, #tpu.memory_space<hbm>> -> memref<2x128xi32, #tpu.memory_space<hbm>>
      %dma_start3A_45 = arith.constant 0 : i32
      %dma_start3A_46 = arith.constant 0 : i32
      %dma_start3A_47 = tpu.memref_slice %arg3[%add3A, %dma_start3A_45, %dma_start3A_46] : memref<32x2x128xi32, #tpu.memory_space<hbm>> -> memref<1x2x128xi32, #tpu.memory_space<hbm>>
      %dma_start3A_48 = tpu.memref_squeeze %dma_start3A_47 : memref<1x2x128xi32, #tpu.memory_space<hbm>> -> memref<2x128xi32, #tpu.memory_space<hbm>>
      tpu.enqueue_dma source(%dma_start3A_48 : memref<2x128xi32, #tpu.memory_space<hbm>>) target(%arg5 : memref<2x128xi32, #tpu.memory_space<vmem>>) target_semaphore(%run_scoped3A : memref<!tpu.dma_semaphore, #tpu.memory_space<semaphore_mem>>)
      %dma_wait3A_49 = arith.constant 0 : i32
      %dma_wait3A_50 = arith.constant 0 : i32
      %dma_wait3A_51 = tpu.memref_slice %arg3[%add3A, %dma_wait3A_49, %dma_wait3A_50] : memref<32x2x128xi32, #tpu.memory_space<hbm>> -> memref<1x2x128xi32, #tpu.memory_space<hbm>>
      %dma_wait3A_52 = tpu.memref_squeeze %dma_wait3A_51 : memref<1x2x128xi32, #tpu.memory_space<hbm>> -> memref<2x128xi32, #tpu.memory_space<hbm>>
      %dma_wait3A_53 = arith.constant 0 : i32
      %dma_wait3A_54 = arith.constant 0 : i32
      %dma_wait3A_55 = tpu.memref_slice %arg3[%add3A, %dma_wait3A_53, %dma_wait3A_54] : memref<32x2x128xi32, #tpu.memory_space<hbm>> -> memref<1x2x128xi32, #tpu.memory_space<hbm>>
      %dma_wait3A_56 = tpu.memref_squeeze %dma_wait3A_55 : memref<1x2x128xi32, #tpu.memory_space<hbm>> -> memref<2x128xi32, #tpu.memory_space<hbm>>
      tpu.wait_dma2 semaphore(%run_scoped3A : memref<!tpu.dma_semaphore, #tpu.memory_space<semaphore_mem>>) src(%dma_wait3A_56 : memref<2x128xi32, #tpu.memory_space<hbm>>) dst(%arg5 : memref<2x128xi32, #tpu.memory_space<vmem>>)
      tpu.yield
    }) : () -> ()
    %dma_start3A = arith.constant 0 : i32
    %dma_start3A_3 = arith.constant 0 : i32
    %dma_start3A_4 = arith.constant 0 : i32
    %dma_start3A_5 = tpu.memref_slice %arg6[%dma_start3A_3, %dma_start3A_4] : memref<256x128xf32, #tpu.memory_space<vmem>> -> memref<128x128xf32, #tpu.memory_space<vmem>>
    %dma_start3A_6 = arith.constant 0 : i32
    %dma_start3A_7 = tpu.memref_slice %arg5[%dma_start3A, %dma_start3A_6] : memref<2x128xi32, #tpu.memory_space<vmem>> -> memref<1x128xi32, #tpu.memory_space<vmem>>
    %dma_start3A_8 = tpu.memref_squeeze %dma_start3A_7 : memref<1x128xi32, #tpu.memory_space<vmem>> -> memref<128xi32, #tpu.memory_space<vmem>>
    %dma_start3A_9 = arith.constant 0 : i32
    %dma_start3A_10 = arith.constant 0 : i32
    %dma_start3A_11 = tpu.memref_slice %arg2[%dma_start3A_9, %dma_start3A_10] : memref<8192x128xf32, #tpu.memory_space<hbm>> -> memref<8192x128xf32, #tpu.memory_space<hbm>>
    tpu.enqueue_indirect_dma source(%dma_start3A_11 : memref<8192x128xf32, #tpu.memory_space<hbm>>) target(%dma_start3A_5 : memref<128x128xf32, #tpu.memory_space<vmem>>) offsets(%dma_start3A_8 : memref<128xi32, #tpu.memory_space<vmem>>) semaphore(%arg7 : memref<!tpu.dma_semaphore, #tpu.memory_space<semaphore_mem>>)
    %dma_start3A_12 = arith.constant 1 : i32
    %dma_start3A_13 = arith.constant 128 : i32
    %dma_start3A_14 = arith.constant 0 : i32
    %dma_start3A_15 = tpu.memref_slice %arg6[%dma_start3A_13, %dma_start3A_14] : memref<256x128xf32, #tpu.memory_space<vmem>> -> memref<128x128xf32, #tpu.memory_space<vmem>>
    %dma_start3A_16 = arith.constant 0 : i32
    %dma_start3A_17 = tpu.memref_slice %arg5[%dma_start3A_12, %dma_start3A_16] : memref<2x128xi32, #tpu.memory_space<vmem>> -> memref<1x128xi32, #tpu.memory_space<vmem>>
    %dma_start3A_18 = tpu.memref_squeeze %dma_start3A_17 : memref<1x128xi32, #tpu.memory_space<vmem>> -> memref<128xi32, #tpu.memory_space<vmem>>
    %dma_start3A_19 = arith.constant 0 : i32
    %dma_start3A_20 = arith.constant 0 : i32
    %dma_start3A_21 = tpu.memref_slice %arg2[%dma_start3A_19, %dma_start3A_20] : memref<8192x128xf32, #tpu.memory_space<hbm>> -> memref<8192x128xf32, #tpu.memory_space<hbm>>
    tpu.enqueue_indirect_dma source(%dma_start3A_21 : memref<8192x128xf32, #tpu.memory_space<hbm>>) target(%dma_start3A_15 : memref<128x128xf32, #tpu.memory_space<vmem>>) offsets(%dma_start3A_18 : memref<128xi32, #tpu.memory_space<vmem>>) semaphore(%arg7 : memref<!tpu.dma_semaphore, #tpu.memory_space<semaphore_mem>>)
    %dma_wait3A = arith.constant 0 : i32
    %dma_wait3A_22 = arith.constant 0 : i32
    %dma_wait3A_23 = arith.constant 0 : i32
    %dma_wait3A_24 = tpu.memref_slice %arg6[%dma_wait3A_22, %dma_wait3A_23] : memref<256x128xf32, #tpu.memory_space<vmem>> -> memref<128x128xf32, #tpu.memory_space<vmem>>
    %dma_wait3A_25 = arith.constant 0 : i32
    %dma_wait3A_26 = tpu.memref_slice %arg5[%dma_wait3A, %dma_wait3A_25] : memref<2x128xi32, #tpu.memory_space<vmem>> -> memref<1x128xi32, #tpu.memory_space<vmem>>
    %dma_wait3A_27 = tpu.memref_squeeze %dma_wait3A_26 : memref<1x128xi32, #tpu.memory_space<vmem>> -> memref<128xi32, #tpu.memory_space<vmem>>
    %dma_wait3A_28 = arith.constant 0 : i32
    %dma_wait3A_29 = arith.constant 0 : i32
    %dma_wait3A_30 = tpu.memref_slice %arg2[%dma_wait3A_28, %dma_wait3A_29] : memref<8192x128xf32, #tpu.memory_space<hbm>> -> memref<8192x128xf32, #tpu.memory_space<hbm>>
    tpu.wait_indirect_dma semaphore(%arg7 : memref<!tpu.dma_semaphore, #tpu.memory_space<semaphore_mem>>) src(%dma_wait3A_30 : memref<8192x128xf32, #tpu.memory_space<hbm>>) dst(%dma_wait3A_24 : memref<128x128xf32, #tpu.memory_space<vmem>>)
    %dma_wait3A_31 = arith.constant 1 : i32
    %dma_wait3A_32 = arith.constant 128 : i32
    %dma_wait3A_33 = arith.constant 0 : i32
    %dma_wait3A_34 = tpu.memref_slice %arg6[%dma_wait3A_32, %dma_wait3A_33] : memref<256x128xf32, #tpu.memory_space<vmem>> -> memref<128x128xf32, #tpu.memory_space<vmem>>
    %dma_wait3A_35 = arith.constant 0 : i32
    %dma_wait3A_36 = tpu.memref_slice %arg5[%dma_wait3A_31, %dma_wait3A_35] : memref<2x128xi32, #tpu.memory_space<vmem>> -> memref<1x128xi32, #tpu.memory_space<vmem>>
    %dma_wait3A_37 = tpu.memref_squeeze %dma_wait3A_36 : memref<1x128xi32, #tpu.memory_space<vmem>> -> memref<128xi32, #tpu.memory_space<vmem>>
    %dma_wait3A_38 = arith.constant 0 : i32
    %dma_wait3A_39 = arith.constant 0 : i32
    %dma_wait3A_40 = tpu.memref_slice %arg2[%dma_wait3A_38, %dma_wait3A_39] : memref<8192x128xf32, #tpu.memory_space<hbm>> -> memref<8192x128xf32, #tpu.memory_space<hbm>>
    tpu.wait_indirect_dma semaphore(%arg7 : memref<!tpu.dma_semaphore, #tpu.memory_space<semaphore_mem>>) src(%dma_wait3A_40 : memref<8192x128xf32, #tpu.memory_space<hbm>>) dst(%dma_wait3A_34 : memref<128x128xf32, #tpu.memory_space<vmem>>)
    "tpu.region"() ({
      %run_scoped3A = tpu.sem_alloc : memref<!tpu.dma_semaphore, #tpu.memory_space<semaphore_mem>>
      %dma_start3A_41 = arith.constant 0 : i32
      %dma_start3A_42 = tpu.memref_slice %arg4[%mul3A_2, %dma_start3A_41] : memref<8192x128xf32, #tpu.memory_space<hbm>> -> memref<256x128xf32, #tpu.memory_space<hbm>>
      %dma_start3A_43 = arith.constant 0 : i32
      %dma_start3A_44 = tpu.memref_slice %arg4[%mul3A_2, %dma_start3A_43] : memref<8192x128xf32, #tpu.memory_space<hbm>> -> memref<256x128xf32, #tpu.memory_space<hbm>>
      tpu.enqueue_dma source(%arg6 : memref<256x128xf32, #tpu.memory_space<vmem>>) target(%dma_start3A_44 : memref<256x128xf32, #tpu.memory_space<hbm>>) target_semaphore(%run_scoped3A : memref<!tpu.dma_semaphore, #tpu.memory_space<semaphore_mem>>)
      %dma_wait3A_45 = arith.constant 0 : i32
      %dma_wait3A_46 = tpu.memref_slice %arg4[%mul3A_2, %dma_wait3A_45] : memref<8192x128xf32, #tpu.memory_space<hbm>> -> memref<256x128xf32, #tpu.memory_space<hbm>>
      %dma_wait3A_47 = arith.constant 0 : i32
      %dma_wait3A_48 = tpu.memref_slice %arg4[%mul3A_2, %dma_wait3A_47] : memref<8192x128xf32, #tpu.memory_space<hbm>> -> memref<256x128xf32, #tpu.memory_space<hbm>>
      tpu.wait_dma2 semaphore(%run_scoped3A : memref<!tpu.dma_semaphore, #tpu.memory_space<semaphore_mem>>) src(%arg6 : memref<256x128xf32, #tpu.memory_space<vmem>>) dst(%dma_wait3A_48 : memref<256x128xf32, #tpu.memory_space<hbm>>)
      tpu.yield
    }) : () -> ()
    return
  }
}

module attributes {stable_mosaic.version = 14 : i64} {
  func.func @_dist_argmin_body(%arg0: i32, %arg1: i32, %arg2: memref<2048x32xbf16, #tpu.memory_space<vmem>>, %arg3: memref<2048x32xf32, #tpu.memory_space<vmem>>, %arg4: memref<32x2048xf32, #tpu.memory_space<vmem>>, %arg5: memref<2048xi32, #tpu.memory_space<vmem>>, %arg6: memref<1x1xf32, #tpu.memory_space<smem>>, %arg7: memref<2048x1xf32, #tpu.memory_space<vmem>>, %arg8: memref<2048x1xi32, #tpu.memory_space<vmem>>, %arg9: memref<2048x1xf32, #tpu.memory_space<vmem>>) attributes {dimension_semantics = [#tpu.dimension_semantics<arbitrary>, #tpu.dimension_semantics<arbitrary>], iteration_bounds = array<i64: 4, 4>, scalar_prefetch = 0 : i64, scratch_operands = 3 : i64, tpu.core_type = #tpu.core_type<tc>, window_params = [{transform_indices = @transform_0, window_bounds = array<i64: 2048, 32>}, {transform_indices = @transform_1, window_bounds = array<i64: 2048, 32>}, {transform_indices = @transform_2, window_bounds = array<i64: 32, 2048>}, {transform_indices = @transform_3, window_bounds = array<i64: 2048>}, {transform_indices = @transform_4, window_bounds = array<i64: 1, 1>}]} {
    %get3A = arith.constant 0 : index
    %get3A_0 = arith.constant 0 : index
    %get3A_1 = vector.load %arg2[%get3A, %get3A_0] : memref<2048x32xbf16, #tpu.memory_space<vmem>>, vector<2048x32xbf16>
    %get3A_2 = arith.constant 0 : index
    %get3A_3 = arith.constant 0 : index
    %get3A_4 = vector.load %arg3[%get3A_2, %get3A_3] : memref<2048x32xf32, #tpu.memory_space<vmem>>, vector<2048x32xf32>
    %mul3A = arith.mulf %get3A_4, %get3A_4 : vector<2048x32xf32>
    %reduce_sum3A = arith.constant dense<0.000000e+00> : vector<2048xf32>
    %reduce_sum3A_5 = vector.multi_reduction <add>, %mul3A, %reduce_sum3A [1] : vector<2048x32xf32> to vector<2048xf32>
    %broadcast_in_dim3A = vector.shape_cast %reduce_sum3A_5 : vector<2048xf32> to vector<2048x1xf32>
    %get3A_6 = arith.constant 0 : index
    %get3A_7 = arith.constant 0 : index
    %get3A_8 = vector.load %arg4[%get3A_6, %get3A_7] : memref<32x2048xf32, #tpu.memory_space<vmem>>, vector<32x512xf32>
    %dot_general3A = arith.constant dense<0.000000e+00> : vector<2048x512xf32>
    %dot_general3A_9 = tpu.matmul %get3A_1, %get3A_8, %dot_general3A {dimension_numbers = #tpu.dot_dimension_numbers<[1], [0], [0], [1], [0, 0, 1, 1], [], []>, transpose_lhs_hint = false} : vector<2048x32xbf16>, vector<32x512xf32>, vector<2048x512xf32> -> vector<2048x512xf32>
    %mul3A_10 = arith.mulf %get3A_8, %get3A_8 : vector<32x512xf32>
    %reduce_sum3A_11 = arith.constant dense<0.000000e+00> : vector<512xf32>
    %reduce_sum3A_12 = vector.multi_reduction <add>, %mul3A_10, %reduce_sum3A_11 [0] : vector<32x512xf32> to vector<512xf32>
    %broadcast_in_dim3A_13 = vector.shape_cast %reduce_sum3A_12 : vector<512xf32> to vector<1x512xf32>
    %add3A = vector.broadcast %broadcast_in_dim3A : vector<2048x1xf32> to vector<2048x512xf32>
    %add3A_14 = vector.broadcast %broadcast_in_dim3A_13 : vector<1x512xf32> to vector<2048x512xf32>
    %add3A_15 = arith.addf %add3A, %add3A_14 : vector<2048x512xf32>
    %mul3A_16 = arith.constant 2.000000e+00 : f32
    %mul3A_17 = vector.broadcast %mul3A_16 : f32 to vector<2048x512xf32>
    %mul3A_18 = arith.mulf %mul3A_17, %dot_general3A_9 : vector<2048x512xf32>
    %sub3A = arith.subf %add3A_15, %mul3A_18 : vector<2048x512xf32>
    %reduce_min3A = arith.constant dense<0x7F800000> : vector<2048xf32>
    %reduce_min3A_19 = vector.multi_reduction <minimumf>, %sub3A, %reduce_min3A [1] : vector<2048x512xf32> to vector<2048xf32>
    %broadcast_in_dim3A_20 = vector.shape_cast %reduce_min3A_19 : vector<2048xf32> to vector<2048x1xf32>
    %iota3A = tpu.iota {dimensions = array<i32: 1>} : vector<2048x512xi32>
    %eq3A = vector.broadcast %broadcast_in_dim3A_20 : vector<2048x1xf32> to vector<2048x512xf32>
    %eq3A_21 = arith.cmpf oeq, %sub3A, %eq3A : vector<2048x512xf32>
    %jit3A = arith.constant 1073741824 : i32
    %broadcast_in_dim3A_22 = vector.broadcast %jit3A : i32 to vector<2048x512xi32>
    %select_n3A = arith.select %eq3A_21, %iota3A, %broadcast_in_dim3A_22 : vector<2048x512xi1>, vector<2048x512xi32>
    %reduce_min3A_23 = arith.constant dense<2147483647> : vector<2048xi32>
    %reduce_min3A_24 = vector.multi_reduction <minsi>, %select_n3A, %reduce_min3A_23 [1] : vector<2048x512xi32> to vector<2048xi32>
    %broadcast_in_dim3A_25 = vector.shape_cast %reduce_min3A_24 : vector<2048xi32> to vector<2048x1xi32>
    %add3A_26 = arith.constant 0 : i32
    %add3A_27 = vector.broadcast %add3A_26 : i32 to vector<2048x1xi32>
    %add3A_28 = arith.addi %broadcast_in_dim3A_25, %add3A_27 : vector<2048x1xi32>
    %get3A_29 = arith.constant 0 : index
    %get3A_30 = arith.constant 512 : index
    %get3A_31 = vector.load %arg4[%get3A_29, %get3A_30] : memref<32x2048xf32, #tpu.memory_space<vmem>>, vector<32x512xf32>
    %dot_general3A_32 = arith.constant dense<0.000000e+00> : vector<2048x512xf32>
    %dot_general3A_33 = tpu.matmul %get3A_1, %get3A_31, %dot_general3A_32 {dimension_numbers = #tpu.dot_dimension_numbers<[1], [0], [0], [1], [0, 0, 1, 1], [], []>, transpose_lhs_hint = false} : vector<2048x32xbf16>, vector<32x512xf32>, vector<2048x512xf32> -> vector<2048x512xf32>
    %mul3A_34 = arith.mulf %get3A_31, %get3A_31 : vector<32x512xf32>
    %reduce_sum3A_35 = arith.constant dense<0.000000e+00> : vector<512xf32>
    %reduce_sum3A_36 = vector.multi_reduction <add>, %mul3A_34, %reduce_sum3A_35 [0] : vector<32x512xf32> to vector<512xf32>
    %broadcast_in_dim3A_37 = vector.shape_cast %reduce_sum3A_36 : vector<512xf32> to vector<1x512xf32>
    %add3A_38 = vector.broadcast %broadcast_in_dim3A : vector<2048x1xf32> to vector<2048x512xf32>
    %add3A_39 = vector.broadcast %broadcast_in_dim3A_37 : vector<1x512xf32> to vector<2048x512xf32>
    %add3A_40 = arith.addf %add3A_38, %add3A_39 : vector<2048x512xf32>
    %mul3A_41 = arith.constant 2.000000e+00 : f32
    %mul3A_42 = vector.broadcast %mul3A_41 : f32 to vector<2048x512xf32>
    %mul3A_43 = arith.mulf %mul3A_42, %dot_general3A_33 : vector<2048x512xf32>
    %sub3A_44 = arith.subf %add3A_40, %mul3A_43 : vector<2048x512xf32>
    %reduce_min3A_45 = arith.constant dense<0x7F800000> : vector<2048xf32>
    %reduce_min3A_46 = vector.multi_reduction <minimumf>, %sub3A_44, %reduce_min3A_45 [1] : vector<2048x512xf32> to vector<2048xf32>
    %broadcast_in_dim3A_47 = vector.shape_cast %reduce_min3A_46 : vector<2048xf32> to vector<2048x1xf32>
    %iota3A_48 = tpu.iota {dimensions = array<i32: 1>} : vector<2048x512xi32>
    %eq3A_49 = vector.broadcast %broadcast_in_dim3A_47 : vector<2048x1xf32> to vector<2048x512xf32>
    %eq3A_50 = arith.cmpf oeq, %sub3A_44, %eq3A_49 : vector<2048x512xf32>
    %jit3A_51 = arith.constant 1073741824 : i32
    %broadcast_in_dim3A_52 = vector.broadcast %jit3A_51 : i32 to vector<2048x512xi32>
    %select_n3A_53 = arith.select %eq3A_50, %iota3A_48, %broadcast_in_dim3A_52 : vector<2048x512xi1>, vector<2048x512xi32>
    %reduce_min3A_54 = arith.constant dense<2147483647> : vector<2048xi32>
    %reduce_min3A_55 = vector.multi_reduction <minsi>, %select_n3A_53, %reduce_min3A_54 [1] : vector<2048x512xi32> to vector<2048xi32>
    %broadcast_in_dim3A_56 = vector.shape_cast %reduce_min3A_55 : vector<2048xi32> to vector<2048x1xi32>
    %add3A_57 = arith.constant 512 : i32
    %add3A_58 = vector.broadcast %add3A_57 : i32 to vector<2048x1xi32>
    %add3A_59 = arith.addi %broadcast_in_dim3A_56, %add3A_58 : vector<2048x1xi32>
    %le3A = arith.cmpf ole, %broadcast_in_dim3A_20, %broadcast_in_dim3A_47 : vector<2048x1xf32>
    %select_n3A_60 = arith.select %le3A, %add3A_28, %add3A_59 : vector<2048x1xi1>, vector<2048x1xi32>
    %select_n3A_61 = arith.select %le3A, %broadcast_in_dim3A_20, %broadcast_in_dim3A_47 : vector<2048x1xi1>, vector<2048x1xf32>
    %get3A_62 = arith.constant 0 : index
    %get3A_63 = arith.constant 1024 : index
    %get3A_64 = vector.load %arg4[%get3A_62, %get3A_63] : memref<32x2048xf32, #tpu.memory_space<vmem>>, vector<32x512xf32>
    %dot_general3A_65 = arith.constant dense<0.000000e+00> : vector<2048x512xf32>
    %dot_general3A_66 = tpu.matmul %get3A_1, %get3A_64, %dot_general3A_65 {dimension_numbers = #tpu.dot_dimension_numbers<[1], [0], [0], [1], [0, 0, 1, 1], [], []>, transpose_lhs_hint = false} : vector<2048x32xbf16>, vector<32x512xf32>, vector<2048x512xf32> -> vector<2048x512xf32>
    %mul3A_67 = arith.mulf %get3A_64, %get3A_64 : vector<32x512xf32>
    %reduce_sum3A_68 = arith.constant dense<0.000000e+00> : vector<512xf32>
    %reduce_sum3A_69 = vector.multi_reduction <add>, %mul3A_67, %reduce_sum3A_68 [0] : vector<32x512xf32> to vector<512xf32>
    %broadcast_in_dim3A_70 = vector.shape_cast %reduce_sum3A_69 : vector<512xf32> to vector<1x512xf32>
    %add3A_71 = vector.broadcast %broadcast_in_dim3A : vector<2048x1xf32> to vector<2048x512xf32>
    %add3A_72 = vector.broadcast %broadcast_in_dim3A_70 : vector<1x512xf32> to vector<2048x512xf32>
    %add3A_73 = arith.addf %add3A_71, %add3A_72 : vector<2048x512xf32>
    %mul3A_74 = arith.constant 2.000000e+00 : f32
    %mul3A_75 = vector.broadcast %mul3A_74 : f32 to vector<2048x512xf32>
    %mul3A_76 = arith.mulf %mul3A_75, %dot_general3A_66 : vector<2048x512xf32>
    %sub3A_77 = arith.subf %add3A_73, %mul3A_76 : vector<2048x512xf32>
    %reduce_min3A_78 = arith.constant dense<0x7F800000> : vector<2048xf32>
    %reduce_min3A_79 = vector.multi_reduction <minimumf>, %sub3A_77, %reduce_min3A_78 [1] : vector<2048x512xf32> to vector<2048xf32>
    %broadcast_in_dim3A_80 = vector.shape_cast %reduce_min3A_79 : vector<2048xf32> to vector<2048x1xf32>
    %iota3A_81 = tpu.iota {dimensions = array<i32: 1>} : vector<2048x512xi32>
    %eq3A_82 = vector.broadcast %broadcast_in_dim3A_80 : vector<2048x1xf32> to vector<2048x512xf32>
    %eq3A_83 = arith.cmpf oeq, %sub3A_77, %eq3A_82 : vector<2048x512xf32>
    %jit3A_84 = arith.constant 1073741824 : i32
    %broadcast_in_dim3A_85 = vector.broadcast %jit3A_84 : i32 to vector<2048x512xi32>
    %select_n3A_86 = arith.select %eq3A_83, %iota3A_81, %broadcast_in_dim3A_85 : vector<2048x512xi1>, vector<2048x512xi32>
    %reduce_min3A_87 = arith.constant dense<2147483647> : vector<2048xi32>
    %reduce_min3A_88 = vector.multi_reduction <minsi>, %select_n3A_86, %reduce_min3A_87 [1] : vector<2048x512xi32> to vector<2048xi32>
    %broadcast_in_dim3A_89 = vector.shape_cast %reduce_min3A_88 : vector<2048xi32> to vector<2048x1xi32>
    %add3A_90 = arith.constant 1024 : i32
    %add3A_91 = vector.broadcast %add3A_90 : i32 to vector<2048x1xi32>
    %add3A_92 = arith.addi %broadcast_in_dim3A_89, %add3A_91 : vector<2048x1xi32>
    %le3A_93 = arith.cmpf ole, %select_n3A_61, %broadcast_in_dim3A_80 : vector<2048x1xf32>
    %select_n3A_94 = arith.select %le3A_93, %select_n3A_60, %add3A_92 : vector<2048x1xi1>, vector<2048x1xi32>
    %select_n3A_95 = arith.select %le3A_93, %select_n3A_61, %broadcast_in_dim3A_80 : vector<2048x1xi1>, vector<2048x1xf32>
    %get3A_96 = arith.constant 0 : index
    %get3A_97 = arith.constant 1536 : index
    %get3A_98 = vector.load %arg4[%get3A_96, %get3A_97] : memref<32x2048xf32, #tpu.memory_space<vmem>>, vector<32x512xf32>
    %dot_general3A_99 = arith.constant dense<0.000000e+00> : vector<2048x512xf32>
    %dot_general3A_100 = tpu.matmul %get3A_1, %get3A_98, %dot_general3A_99 {dimension_numbers = #tpu.dot_dimension_numbers<[1], [0], [0], [1], [0, 0, 1, 1], [], []>, transpose_lhs_hint = false} : vector<2048x32xbf16>, vector<32x512xf32>, vector<2048x512xf32> -> vector<2048x512xf32>
    %mul3A_101 = arith.mulf %get3A_98, %get3A_98 : vector<32x512xf32>
    %reduce_sum3A_102 = arith.constant dense<0.000000e+00> : vector<512xf32>
    %reduce_sum3A_103 = vector.multi_reduction <add>, %mul3A_101, %reduce_sum3A_102 [0] : vector<32x512xf32> to vector<512xf32>
    %broadcast_in_dim3A_104 = vector.shape_cast %reduce_sum3A_103 : vector<512xf32> to vector<1x512xf32>
    %add3A_105 = vector.broadcast %broadcast_in_dim3A : vector<2048x1xf32> to vector<2048x512xf32>
    %add3A_106 = vector.broadcast %broadcast_in_dim3A_104 : vector<1x512xf32> to vector<2048x512xf32>
    %add3A_107 = arith.addf %add3A_105, %add3A_106 : vector<2048x512xf32>
    %mul3A_108 = arith.constant 2.000000e+00 : f32
    %mul3A_109 = vector.broadcast %mul3A_108 : f32 to vector<2048x512xf32>
    %mul3A_110 = arith.mulf %mul3A_109, %dot_general3A_100 : vector<2048x512xf32>
    %sub3A_111 = arith.subf %add3A_107, %mul3A_110 : vector<2048x512xf32>
    %reduce_min3A_112 = arith.constant dense<0x7F800000> : vector<2048xf32>
    %reduce_min3A_113 = vector.multi_reduction <minimumf>, %sub3A_111, %reduce_min3A_112 [1] : vector<2048x512xf32> to vector<2048xf32>
    %broadcast_in_dim3A_114 = vector.shape_cast %reduce_min3A_113 : vector<2048xf32> to vector<2048x1xf32>
    %iota3A_115 = tpu.iota {dimensions = array<i32: 1>} : vector<2048x512xi32>
    %eq3A_116 = vector.broadcast %broadcast_in_dim3A_114 : vector<2048x1xf32> to vector<2048x512xf32>
    %eq3A_117 = arith.cmpf oeq, %sub3A_111, %eq3A_116 : vector<2048x512xf32>
    %jit3A_118 = arith.constant 1073741824 : i32
    %broadcast_in_dim3A_119 = vector.broadcast %jit3A_118 : i32 to vector<2048x512xi32>
    %select_n3A_120 = arith.select %eq3A_117, %iota3A_115, %broadcast_in_dim3A_119 : vector<2048x512xi1>, vector<2048x512xi32>
    %reduce_min3A_121 = arith.constant dense<2147483647> : vector<2048xi32>
    %reduce_min3A_122 = vector.multi_reduction <minsi>, %select_n3A_120, %reduce_min3A_121 [1] : vector<2048x512xi32> to vector<2048xi32>
    %broadcast_in_dim3A_123 = vector.shape_cast %reduce_min3A_122 : vector<2048xi32> to vector<2048x1xi32>
    %add3A_124 = arith.constant 1536 : i32
    %add3A_125 = vector.broadcast %add3A_124 : i32 to vector<2048x1xi32>
    %add3A_126 = arith.addi %broadcast_in_dim3A_123, %add3A_125 : vector<2048x1xi32>
    %le3A_127 = arith.cmpf ole, %select_n3A_95, %broadcast_in_dim3A_114 : vector<2048x1xf32>
    %select_n3A_128 = arith.select %le3A_127, %select_n3A_94, %add3A_126 : vector<2048x1xi1>, vector<2048x1xi32>
    %select_n3A_129 = arith.select %le3A_127, %select_n3A_95, %broadcast_in_dim3A_114 : vector<2048x1xi1>, vector<2048x1xf32>
    %mul3A_130 = arith.constant 2048 : i32
    %mul3A_131 = arith.muli %arg1, %mul3A_130 : i32
    %add3A_132 = vector.broadcast %mul3A_131 : i32 to vector<2048x1xi32>
    %add3A_133 = arith.addi %select_n3A_128, %add3A_132 : vector<2048x1xi32>
    %convert_element_type3A = arith.truncf %select_n3A_129 : vector<2048x1xf32> to vector<2048x1xbf16>
    %convert_element_type3A_134 = arith.extf %convert_element_type3A : vector<2048x1xbf16> to vector<2048x1xf32>
    %eq3A_135 = arith.constant 0 : i32
    %eq3A_136 = arith.cmpi eq, %arg1, %eq3A_135 : i32
    %convert_element_type3A_137 = arith.extui %eq3A_136 : i1 to i32
    %cond3A = arith.constant 0 : i32
    %cond3A_138 = arith.cmpi ne, %convert_element_type3A_137, %cond3A : i32
    scf.if %cond3A_138 {
      %swap3A = arith.constant 0 : index
      %swap3A_148 = arith.constant 0 : index
      %swap3A_149 = vector.load %arg7[%swap3A, %swap3A_148] : memref<2048x1xf32, #tpu.memory_space<vmem>>, vector<2048x1xf32>
      tpu.vector_store %arg7[%swap3A, %swap3A_148], %convert_element_type3A_134 {strides = array<i32>} : memref<2048x1xf32, #tpu.memory_space<vmem>>, vector<2048x1xf32>,
      %swap3A_150 = arith.constant 0 : index
      %swap3A_151 = arith.constant 0 : index
      %swap3A_152 = vector.load %arg8[%swap3A_150, %swap3A_151] : memref<2048x1xi32, #tpu.memory_space<vmem>>, vector<2048x1xi32>
      tpu.vector_store %arg8[%swap3A_150, %swap3A_151], %add3A_133 {strides = array<i32>} : memref<2048x1xi32, #tpu.memory_space<vmem>>, vector<2048x1xi32>,
      %swap3A_153 = arith.constant 0 : index
      %swap3A_154 = arith.constant 0 : index
      %swap3A_155 = vector.load %arg9[%swap3A_153, %swap3A_154] : memref<2048x1xf32, #tpu.memory_space<vmem>>, vector<2048x1xf32>
      tpu.vector_store %arg9[%swap3A_153, %swap3A_154], %select_n3A_129 {strides = array<i32>} : memref<2048x1xf32, #tpu.memory_space<vmem>>, vector<2048x1xf32>,
    } else {
    }
    %gt3A = arith.constant 0 : i32
    %gt3A_139 = arith.cmpi sgt, %arg1, %gt3A : i32
    %convert_element_type3A_140 = arith.extui %gt3A_139 : i1 to i32
    %cond3A_141 = arith.constant 0 : i32
    %cond3A_142 = arith.cmpi ne, %convert_element_type3A_140, %cond3A_141 : i32
    scf.if %cond3A_142 {
      %get3A_148 = arith.constant 0 : index
      %get3A_149 = arith.constant 0 : index
      %get3A_150 = vector.load %arg7[%get3A_148, %get3A_149] : memref<2048x1xf32, #tpu.memory_space<vmem>>, vector<2048x1xf32>
      %lt3A = arith.cmpf olt, %select_n3A_129, %get3A_150 : vector<2048x1xf32>
      %get3A_151 = arith.constant 0 : index
      %get3A_152 = arith.constant 0 : index
      %get3A_153 = vector.load %arg8[%get3A_151, %get3A_152] : memref<2048x1xi32, #tpu.memory_space<vmem>>, vector<2048x1xi32>
      %select_n3A_154 = arith.select %lt3A, %add3A_133, %get3A_153 : vector<2048x1xi1>, vector<2048x1xi32>
      %swap3A = arith.constant 0 : index
      %swap3A_155 = arith.constant 0 : index
      %swap3A_156 = vector.load %arg8[%swap3A, %swap3A_155] : memref<2048x1xi32, #tpu.memory_space<vmem>>, vector<2048x1xi32>
      tpu.vector_store %arg8[%swap3A, %swap3A_155], %select_n3A_154 {strides = array<i32>} : memref<2048x1xi32, #tpu.memory_space<vmem>>, vector<2048x1xi32>,
      %get3A_157 = arith.constant 0 : index
      %get3A_158 = arith.constant 0 : index
      %get3A_159 = vector.load %arg7[%get3A_157, %get3A_158] : memref<2048x1xf32, #tpu.memory_space<vmem>>, vector<2048x1xf32>
      %select_n3A_160 = arith.select %lt3A, %convert_element_type3A_134, %get3A_159 : vector<2048x1xi1>, vector<2048x1xf32>
      %swap3A_161 = arith.constant 0 : index
      %swap3A_162 = arith.constant 0 : index
      %swap3A_163 = vector.load %arg7[%swap3A_161, %swap3A_162] : memref<2048x1xf32, #tpu.memory_space<vmem>>, vector<2048x1xf32>
      tpu.vector_store %arg7[%swap3A_161, %swap3A_162], %select_n3A_160 {strides = array<i32>} : memref<2048x1xf32, #tpu.memory_space<vmem>>, vector<2048x1xf32>,
      %get3A_164 = arith.constant 0 : index
      %get3A_165 = arith.constant 0 : index
      %get3A_166 = vector.load %arg9[%get3A_164, %get3A_165] : memref<2048x1xf32, #tpu.memory_space<vmem>>, vector<2048x1xf32>
      %min3A = arith.minimumf %get3A_166, %select_n3A_129 : vector<2048x1xf32>
      %swap3A_167 = arith.constant 0 : index
      %swap3A_168 = arith.constant 0 : index
      %swap3A_169 = vector.load %arg9[%swap3A_167, %swap3A_168] : memref<2048x1xf32, #tpu.memory_space<vmem>>, vector<2048x1xf32>
      tpu.vector_store %arg9[%swap3A_167, %swap3A_168], %min3A {strides = array<i32>} : memref<2048x1xf32, #tpu.memory_space<vmem>>, vector<2048x1xf32>,
    } else {
    }
    %eq3A_143 = arith.constant 3 : i32
    %eq3A_144 = arith.cmpi eq, %arg1, %eq3A_143 : i32
    %convert_element_type3A_145 = arith.extui %eq3A_144 : i1 to i32
    %cond3A_146 = arith.constant 0 : i32
    %cond3A_147 = arith.cmpi ne, %convert_element_type3A_145, %cond3A_146 : i32
    scf.if %cond3A_147 {
      %get3A_148 = arith.constant 0 : index
      %get3A_149 = arith.constant 0 : index
      %get3A_150 = vector.load %arg8[%get3A_148, %get3A_149] : memref<2048x1xi32, #tpu.memory_space<vmem>>, vector<2048x1xi32>
      %reshape3A = vector.shape_cast %get3A_150 : vector<2048x1xi32> to vector<2048xi32>
      %swap3A = arith.constant 0 : index
      %swap3A_151 = vector.load %arg5[%swap3A] : memref<2048xi32, #tpu.memory_space<vmem>>, vector<2048xi32>
      tpu.vector_store %arg5[%swap3A], %reshape3A {strides = array<i32>} : memref<2048xi32, #tpu.memory_space<vmem>>, vector<2048xi32>,
      %get3A_152 = arith.constant 0 : index
      %get3A_153 = arith.constant 0 : index
      %get3A_154 = vector.load %arg9[%get3A_152, %get3A_153] : memref<2048x1xf32, #tpu.memory_space<vmem>>, vector<2048x1xf32>
      %reduce_sum3A_155 = vector.shape_cast %get3A_154 : vector<2048x1xf32> to vector<1x2048x1xf32>
      %reduce_sum3A_156 = arith.constant dense<0.000000e+00> : vector<1xf32>
      %reduce_sum3A_157 = vector.multi_reduction <add>, %reduce_sum3A_155, %reduce_sum3A_156 [1, 2] : vector<1x2048x1xf32> to vector<1xf32>
      %reduce_sum3A_158 = vector.shape_cast %reduce_sum3A_157 : vector<1xf32> to vector<1x1x1xf32>
      %reduce_sum3A_159 = vector.extract %reduce_sum3A_158[0, 0, 0] : f32 from vector<1x1x1xf32>
      %eq3A_160 = arith.constant 0 : i32
      %eq3A_161 = arith.cmpi eq, %arg0, %eq3A_160 : i32
      %convert_element_type3A_162 = arith.extui %eq3A_161 : i1 to i32
      %cond3A_163 = arith.constant 0 : i32
      %cond3A_164 = arith.cmpi ne, %convert_element_type3A_162, %cond3A_163 : i32
      scf.if %cond3A_164 {
        %swap3A_170 = arith.constant 0 : index
        %swap3A_171 = arith.constant 0 : index
        %swap3A_172 = memref.load %arg6[%swap3A_170, %swap3A_171] : memref<1x1xf32, #tpu.memory_space<smem>>
        memref.store %reduce_sum3A_159, %arg6[%swap3A_170, %swap3A_171] : memref<1x1xf32, #tpu.memory_space<smem>>
      } else {
      }
      %gt3A_165 = arith.constant 0 : i32
      %gt3A_166 = arith.cmpi sgt, %arg0, %gt3A_165 : i32
      %convert_element_type3A_167 = arith.extui %gt3A_166 : i1 to i32
      %cond3A_168 = arith.constant 0 : i32
      %cond3A_169 = arith.cmpi ne, %convert_element_type3A_167, %cond3A_168 : i32
      scf.if %cond3A_169 {
        %get3A_170 = arith.constant 0 : index
        %get3A_171 = arith.constant 0 : index
        %get3A_172 = memref.load %arg6[%get3A_170, %get3A_171] : memref<1x1xf32, #tpu.memory_space<smem>>
        %add3A_173 = arith.addf %get3A_172, %reduce_sum3A_159 : f32
        %swap3A_174 = arith.constant 0 : index
        %swap3A_175 = arith.constant 0 : index
        %swap3A_176 = memref.load %arg6[%swap3A_174, %swap3A_175] : memref<1x1xf32, #tpu.memory_space<smem>>
        memref.store %add3A_173, %arg6[%swap3A_174, %swap3A_175] : memref<1x1xf32, #tpu.memory_space<smem>>
      } else {
      }
    } else {
    }
    return
  }
  func.func @transform_0(%arg0: i32, %arg1: i32) -> (i32, i32) {
    %c0_i32 = arith.constant 0 : i32
    %c0_i32_0 = arith.constant 0 : i32
    return %arg0, %c0_i32 : i32, i32
  }
  func.func @transform_1(%arg0: i32, %arg1: i32) -> (i32, i32) {
    %c0_i32 = arith.constant 0 : i32
    %c0_i32_0 = arith.constant 0 : i32
    return %arg0, %c0_i32 : i32, i32
  }
  func.func @transform_2(%arg0: i32, %arg1: i32) -> (i32, i32) {
    %c0_i32 = arith.constant 0 : i32
    %c0_i32_0 = arith.constant 0 : i32
    return %c0_i32, %arg1 : i32, i32
  }
  func.func @transform_3(%arg0: i32, %arg1: i32) -> i32 {
    %c0_i32 = arith.constant 0 : i32
    return %arg0 : i32
  }
  func.func @transform_4(%arg0: i32, %arg1: i32) -> (i32, i32) {
    %c0_i32 = arith.constant 0 : i32
    %c0_i32_0 = arith.constant 0 : i32
    %c0_i32_1 = arith.constant 0 : i32
    return %c0_i32, %c0_i32_0 : i32, i32
  }
}

</mosaic_0001>

<sc_bundles>
// kernel: kernel.4.cloned.1.call-start
scs
__scs_entry_jumppad:
0x0: {  	(pc) =	sbr.rel $0x88, $3  }
0x1: {  	(tag) =	ssettag $0x0;
	lr =	simm.s32 $0x1  }
0x2: {  	[smem:$0x3F9F] =	sst lr;
	_ =	strace $0xD0000000  }
0x3: {  	_ = 	snop  }
0x4: {  	_ = 	snop  }
0x5: {  	_ = 	snop  }
0x6: {  	_ = 	snop  }
0x7: {  	_ = 	snop  }
__scs_overlays_trampoline_lowered:
0x8: {  	[smem:$0x3FAE] =	sst s0  }
0x9: {  	[smem:$0x3FAF] =	sst s1  }
0xa: {  	[smem:$0x3FB0] =	sst s2  }
0xb: {  	[smem:$0x3FB1] =	sst s3  }
0xc: {  	[smem:$0x3FB2] =	sst s4  }
0xd: {  	[smem:$0x3FB3] =	sst s5  }
0xe: {  	[smem:$0x3FB4] =	sst s6  }
0xf: {  	[smem:$0x3FB5] =	sst s7  }
0x10: {  	[smem:$0x3FB6] =	sst s8  }
0x11: {  	[smem:$0x3FB7] =	sst s9;
	s0 =	simm.s32 @!p0 $0x0  }
0x12: {  	s1 =	sld [smem:$0x3F9D];
	s0 =	simm.s32 @p0 $0x1  }
0x13: {  	[smem:$0x3FB8] =	sst s0;
	s0 =	simm.s32 @!p1 $0x0  }
0x14: {  	s2 =	sld [smem:$0x3F9C];
	s0 =	simm.s32 @p1 $0x1  }
0x15: {  	[smem:$0x3FB9] =	sst s0;
	s0 =	simm.s32 @!p2 $0x0  }
0x16: {  	s3 =	sld [smem:$0x3FDB];
	s0 =	simm.s32 @p2 $0x1  }
0x17: {  	s4 =	simm.s32 $0x1BF5;
	[smem:$0x3FBB] =	sst s0  }
0x18: {  	s0 =	sld [smem:$0x3F9E];
	_ =	swait.ge [sflag:s4], $0x0  }
0x19: {  	s7 =	sld [smem:$0x3F9F]  }
0x1a: {  	s8 =	sadd.s32 $0xFFFFE003, lr  }
0x1b: {  	s9 =	sadd.s32 $0xFFFFFEF7, lr;
	s5 =	simm.s32 $0xFFFFFFFF;
	p2 =	slt.u32 s8, $0xFFFFF086  }
0x1c: {  	p1 =	slt.u32 s9, $0xF7A;
	s5 =	simm.s32 @!p2 $0x0  }
0x1d: {  	s5 =	simm.s32 @p1 $0x1;
	p0 =	seq.s32 s7, s2  }
0x1e: {  	s7 =	smul.u32 @!p0 $0xF7A, s2;
	p2 =	seq.s32 @!p0 s5, $0x0  }
0x1f: {  	s9 =	smul.u32 $0xF7A, s1;
	s8 =	simm.s32 @!p0 $0x1BF5;
	p2 =	por !p2, p0  }
0x20: {  	[sflag:s8] =	ssyncset.s32 @!p0 $0xFFFFF086;
	s6 =	sadd.s32 @!p0 s3, s7;
	s7 =	simm.s32 @!p0 $0x108  }
0x21: {  	s3 =	sadd.s32 s3, s9;
	s6 =	sadd.s32 @!p0 $0x88, s6;
	s7 =	simm.s32 @p2 $0x1082  }
0x22: {  	[simem:s7], [sflag:s8] =	dma.local @!p0 [hbm:s6], $0xF7A  }
0x23: {  	s9 =	sor.u32 $0xD0000000, s2;
	s6 =	simm.s32 $0x108;
	_ =	swait.ge @!p0 [sflag:s8], $0x0  }
0x24: {  	s3 =	sadd.s32 $0x88, s3;
	s6 =	simm.s32 @!p1 $0x1082;
	[sflag:s4] =	ssyncset.s32 $0xFFFFF086  }
0x25: {  	[simem:s6], [sflag:s4] =	dma.local [hbm:s3], $0xF7A  }
0x26: {  	[smem:$0x3F9F] =	sst s1;
	(tag) =	ssettag s2;
	_ =	strace s9  }
0x27: {  	s1 =	sld [smem:$0x3FAF]  }
0x28: {  	s2 =	sld [smem:$0x3FB0]  }
0x29: {  	s4 =	sld [smem:$0x3FB2]  }
0x2a: {  	p0 =	seq.s32 s5, $0x0;
	s5 =	sld [smem:$0x3FB3]  }
0x2b: {  	s6 =	sld [smem:$0x3FB4]  }
0x2c: {  	s7 =	sld [smem:$0x3FB5]  }
0x2d: {  	s3 =	simm.s32 $0x108;
	s8 =	sld [smem:$0x3FB6]  }
0x2e: {  	s3 =	simm.s32 @!p0 $0x1082;
	s9 =	sld [smem:$0x3FB7]  }
0x2f: {  	lr =	sadd.s32 s0, s3;
	s0 =	sld [smem:$0x3FAE]  }
0x30: {  	s3 =	sld [smem:$0x3FB1]  }
0x31: {  	[smem:$0x3FBA] =	sst s10  }
0x32: {  	s10 =	sld [smem:$0x3FB8];
	_ =	sdelay $0x3  }
0x33: {  	p0 =	seq.s32 s10, $0x1;
	s10 =	sld [smem:$0x3FBA];
	_ =	sdelay $0x3  }
0x34: {  	[smem:$0x3FBA] =	sst s10  }
0x35: {  	s10 =	sld [smem:$0x3FB9];
	_ =	sdelay $0x3  }
0x36: {  	p1 =	seq.s32 s10, $0x1;
	s10 =	sld [smem:$0x3FBA];
	_ =	sdelay $0x3  }
0x37: {  	[smem:$0x3FBA] =	sst s10  }
0x38: {  	s10 =	sld [smem:$0x3FBB]  }
0x39: {  	_ = 	snop;
	(pc) =	sbr.ind lr, $3  }
0x3a: {  	_ = 	snop  }
0x3b: {  	_ = 	snop  }
0x3c: {  	p2 =	seq.s32 s10, $0x1;
	s10 =	sld [smem:$0x3FBA]  }
0x3d: {  	_ =	shalt  }
0x3e: {  	_ =	shalt  }
0x3f: {  	_ =	shalt  }
0x40: {  	_ =	shalt  }
0x41: {  	_ =	shalt  }
0x42: {  	_ =	shalt  }
0x43: {  	_ =	shalt  }
0x44: {  	_ =	shalt  }
0x45: {  	_ =	shalt  }
0x46: {  	_ =	shalt  }
0x47: {  	_ =	shalt  }
0x48: {  	_ =	shalt  }
0x49: {  	_ =	shalt  }
0x4a: {  	_ =	shalt  }
0x4b: {  	_ =	shalt  }
0x4c: {  	_ =	shalt  }
0x4d: {  	_ =	shalt  }
0x4e: {  	_ =	shalt  }
0x4f: {  	_ =	shalt  }
0x50: {  	_ =	shalt  }
0x51: {  	_ =	shalt  }
0x52: {  	_ =	shalt  }
0x53: {  	_ =	shalt  }
0x54: {  	_ =	shalt  }
0x55: {  	_ =	shalt  }
0x56: {  	_ =	shalt  }
0x57: {  	_ =	shalt  }
0x58: {  	_ =	shalt  }
0x59: {  	_ =	shalt  }
0x5a: {  	_ =	shalt  }
0x5b: {  	_ =	shalt  }
0x5c: {  	_ =	shalt  }
0x5d: {  	_ =	shalt  }
0x5e: {  	_ =	shalt  }
0x5f: {  	_ =	shalt  }
0x60: {  	_ =	shalt  }
0x61: {  	_ =	shalt  }
0x62: {  	_ =	shalt  }
0x63: {  	_ =	shalt  }
0x64: {  	_ =	shalt  }
0x65: {  	_ =	shalt  }
0x66: {  	_ =	shalt  }
0x67: {  	_ =	shalt  }
0x68: {  	_ =	shalt  }
0x69: {  	_ =	shalt  }
0x6a: {  	_ =	shalt  }
0x6b: {  	_ =	shalt  }
0x6c: {  	_ =	shalt  }
0x6d: {  	_ =	shalt  }
0x6e: {  	_ =	shalt  }
0x6f: {  	_ =	shalt  }
0x70: {  	_ =	shalt  }
0x71: {  	_ =	shalt  }
0x72: {  	_ =	shalt  }
0x73: {  	_ =	shalt  }
0x74: {  	_ =	shalt  }
0x75: {  	_ =	shalt  }
0x76: {  	_ =	shalt  }
0x77: {  	_ =	shalt  }
0x78: {  	_ =	shalt  }
0x79: {  	_ =	shalt  }
0x7a: {  	_ =	shalt  }
0x7b: {  	_ =	shalt  }
0x7c: {  	_ =	shalt  }
0x7d: {  	_ =	shalt  }
0x7e: {  	_ =	shalt  }
0x7f: {  	_ =	shalt  }
0x80: {  	_ =	shalt  }
0x81: {  	_ =	shalt  }
0x82: {  	_ =	shalt  }
0x83: {  	_ =	shalt  }
0x84: {  	_ =	shalt  }
0x85: {  	_ =	shalt  }
0x86: {  	_ =	shalt  }
0x87: {  	_ =	shalt  }
.Lfunc_end0:
.L_simem_size_0:
called_computation_lowered:
.L_overlay_start_0:
0x88: {  	s2 =	sld [smem:$0x3FD9]  }
0x89: {  	s3 =	sld [smem:$0x3FFE];
	_ =	sdelay $0x1  }
0x8a: {  	s1 =	srdreg.scid  }
0x8b: {  	s0 =	sand.u32 $0x1, s1  }
0x8c: {  	s14 =	sshll.u32 s0, $0xA;
	s2 =	sadd.s32 s3, s2  }
0x8d: {  	s2 =	sadd.s32 s2, s14  }
0x8e: {  	[smem:$0x3FC6] =	sst s2  }
0x8f: {  	_ = 	snop  }
0x90: {  	s2 =	sld [smem:$0x3FD0];
	_ =	sdelay $0x2  }
0x91: {  	s15 =	simm.s32 $0xA;
	s4 =	simm.s32 $0x10  }
0x92: {  	[smem:s4], [sflag:s15] =	dma.local [hbm:s2], $0x1  }
0x93: {  	_ =	swait.eq [sflag:s15], $0x1  }
0x94: {  	[sflag:s15] =	ssyncset.done $0x0  }
0x95: {  	s16 =	sld [smem:$0x11];
	[sflag:s15] =	ssyncadd.s32 $0xFFFFFFFF  }
0x96: {  	s17 =	sld [smem:$0x12];
	(tm) =	ssettm $0x1  }
0x97: {  	s18 =	sld [smem:$0x3FFB];
	_ =	sdelay $0x3  }
0x98: {  	_ =	strace s18  }
0x99: {  	s4 =	sld [smem:$0x3FFC];
	_ =	sdelay $0x3  }
0x9a: {  	_ =	strace s4  }
0x9b: {  	s4 =	sld [smem:$0x3FFD];
	_ =	sdelay $0x3  }
0x9c: {  	_ =	strace s4  }
0x9d: {  	_ =	strace $0x8FFFFFFF  }
0x9e: {  	s19 =	sld [smem:$0x3FDB];
	_ =	sdelay $0x1  }
0x9f: {  	s5 =	simm.s32 $_scs_section_size  }
0xa0: {  	s6 =	simm.s32 $_size__tile_overlayer_lowered;
	s7 =	simm.s32 $_tile_overlayer_lowered  }
0xa1: {  	s22 =	simm.s32 $0x1BFF;
	s21 =	sshll.u32 s7, $0x1;
	s4 =	sadd.s32 s5, s19  }
0xa2: {  	s8 =	simm.s32 $0x0;
	s20 =	sshll.u32 s6, $0x1;
	s6 =	sadd.s32 s21, s4  }
0xa3: {  	[timem:s8], [sflag:s22] =	dma.local [hbm:s6], s20  }
0xa4: {  	_ =	swait.ge [sflag:s22], s20  }
0xa5: {  	s5 =	ssub.s32 $0x0, s20;
	[sflag:s22] =	ssyncset.done $0x0  }
0xa6: {  	[sflag:s22] =	ssyncadd.s32 s5;
	_ =	sdelay $0x1  }
0xa7: {  	s23 =	simm.s32 $0x1B8B  }
0xa8: {  	_ =	swait.ge [sflag:s23], $0x1  }
0xa9: {  	[sflag:s23] =	ssyncset.done $0x0  }
0xaa: {  	s25 =	simm.s32 $0x1B8E;
	s24 =	sld [smem:$0x3FFE];
	[sflag:s23] =	ssyncadd.s32 $0xFFFFFFFF  }
0xab: {  	s26 =	simm.s32 $execute0_lowered;
	[smem:$0x3FD2] =	sst s25  }
0xac: {  	s6 =	sshll.u32 s26, $0x1;
	_ =	strace $0x80000046;
	[dreg:$0x1] =	wrdreg $0xFFFFFFFF  }
0xad: {  	s28 =	simm.s32 $_size_execute0_lowered;
	s4 =	sadd.s32 s4, s6;
	[dreg:$0x0] =	wrdreg $0x0  }
0xae: {  	s6 =	sshll.u32 s28, $0x1;
	[dreg:$0x2] =	wrdreg s4  }
0xaf: {  	[dreg:$0x3] =	wrdreg s6  }
0xb0: {  	[dreg:$0x4] =	wrdreg $0xC0  }
0xb1: {  	_ =	task [dreg:s8], $0x5FFFF  }
0xb2: {  	[dreg:$0x1] =	wrdreg $0xFFFFFFFF  }
0xb3: {  	[dreg:$0x0] =	wrdreg $0x60  }
0xb4: {  	[dreg:$0x2] =	wrdreg s16  }
0xb5: {  	[dreg:$0x3] =	wrdreg s17  }
0xb6: {  	[dreg:$0x4] =	wrdreg s24  }
0xb7: {  	[dreg:$0x5] =	wrdreg $0x9  }
0xb8: {  	_ =	task.clear_ibuf [dreg:s8], $0x6FFFF;
	_ =	strace $0x90000046  }
0xb9: {  	s29 =	simm.s32 $0x9;
	_ =	strace $0x80000048  }
0xba: {  	_ =	swait.ge [sflag:s29], $0x1  }
0xbb: {  	[sflag:s29] =	ssyncadd.s32 $0xFFFFFFFF  }
0xbc: {  	_ =	strace $0x90000048  }
0xbd: {  	_ =	sfence  }
0xbe: {  	s30 =	sld [smem:$0x0];
	_ =	sdelay $0x2  }
0xbf: {  	s31 =	sshll.u32 s1, $0xD;
	s1 =	sshrl.u32 s1, $0x2  }
0xc0: {  	s3 =	sand.u32 $0x4000, s31;
	s1 =	sadd.s32 s1, s30  }
0xc1: {  	s0 =	sor.u32 s3, s0;
	s1 =	sshll.u32 s1, $0x11  }
0xc2: {  	s0 =	sor.u32 s1, s0  }
0xc3: {  	s0 =	sadd.s32 $0x8F2B, s0  }
0xc4: {  	[sflag:s0] =	ssyncadd.remote.s32 $0x1  }
0xc5: {  	_ =	sfence.sel $0xFFFF  }
0xc6: {  	[dreg:$0x0] =	wrdreg $0xFFFFFFFF;
	(pc) =	sbr.abs _section_cstart, $3  }
0xc7: {  	[dreg:$0x1] =	wrdreg $0xFFFFFFFF  }
0xc8: {  	_ =	task.clear_ibuf [dreg:s8], $0x2FFFF;
	_ =	strace $0x9FFFFFFF  }
0xc9: {  	(tm) =	ssettm $0x7FFFFFFF  }
tec
execute0_lowered:
.L_overlay_start_1:
0x0: {  	(tag) =	ssettag $0x1  }
0x1: {  	s1 =	rddreg [dreg:$0x0];
	s2 =	srdreg.scid  }
0x2: {  	s4 =	rddreg [dreg:$0x1];
	s0 =	stileid.u32;
	s10 =	sand.u32 $0x1, s2  }
0x3: {  	s11 =	rddreg [dreg:$0x2];
	s5 =	sshll.u32 s0, $0x9;
	s6 =	sshll.u32 s10, $0x8  }
0x4: {  	s3 =	simm.s32 $0x0;
	s2 =	rddreg [dreg:$0x3];
	s12 =	sor.u32 s6, s5  }
0x5: {  	[smem:$0x7FF] =	sst s3;
	s5 =	sshrl.u32 s12, $0x3  }
0x6: {  	_ =	strace $0x80000047;
	s5 =	sadd.s32 s4, s5;
	s4 =	simm.s32 $0x2  }
0x7: {  	[tilespmem:s3], [sflag:$0x2] =	stream.linear.gather [hbm4b:s5+s3], $0x100, $0x38;
	[tilespmem:$0x8100] =	vst v63  }
0x8: {  	_ =	swait.ge [sflag:s4], $0x100  }
0x9: {  	[sflag:s4] =	ssyncset.done $0x0  }
0xa: {  	s7 =	simm.s32 $0x100;
	s6 =	simm.s32 $0x80;
	[sflag:s4] =	ssyncadd.s32 $0xFFFFFF00  }
0xb: {  	[tilespmem:s7], [sflag:$0x1] =	stream.indirect.gather [hbm4b:s1+s6], $0x80, s3, s6, $0xb8;
	[tilespmem:$0x8100] =	vst v63  }
0xc: {  	s8 =	simm.s32 $0x4100;
	s9 =	simm.s32 $0x1;
	s10 =	ssub.s32 $0x2, s10  }
0xd: {  	[tilespmem:s8], [sflag:$0x1] =	stream.indirect.gather [hbm4b:s1+s6], $0x80, s6, s6, $0xb8;
	[tilespmem:$0x8100] =	vst v63  }
0xe: {  	s13 =	sshrl.u32 s10, $0x1;
	_ =	swait.ge [sflag:s9], $0x4000  }
0xf: {  	s30 =	ssub.s32 s10, s13;
	[sflag:s9] =	ssyncset.done $0x0  }
0x10: {  	s31 =	smax.u32 s30, $0x1;
	[sflag:s9] =	ssyncadd.s32 $0xFFFFC000  }
0x11: {  	s12 =	sshll.u32 s12, $0x4;
	p0 =	sne.s32 s31, $0x1;
	_ =	swait.ge [sflag:s9], $0x4000  }
.Ltmp0:
0x12: {  	s11 =	sadd.s32 s12, s11;
	[sflag:s9] =	ssyncset.done $0x0;
	(pc) =	sbr.rel @!p0 .LBB2_2-.Ltmp0, $4  }
0x13: {  	s10 =	sadd.s32 $0xA00, s11;
	[sflag:s9] =	ssyncadd.s32 $0xFFFFC000  }
0x14: {  	[hbm4b:s10+s3] =	stream.linear.scatter [tilespmem:s7], [sflag:$0x2], $0x8000, $0x38;
	[tilespmem:$0x8100] =	vst v63  }
0x15: {  	_ =	swait.ge [sflag:s4], $0x8000  }
0x16: {  	s11 =	sadd.s32 $0xFFFFFFFF, s31;
	[sflag:s4] =	ssyncset.done $0x0  }
.LBB2_1:
0x17: {  	p0 =	sne.s32 s11, $0x1;
	s11 =	sadd.s32 $0xFFFFFFFF, s11;
	[sflag:s4] =	ssyncadd.s32 $0xFFFF8000  }
0x18: {  	[tilespmem:s3], [sflag:$0x2] =	stream.linear.gather [hbm4b:s5+s3], $0x100, $0x38;
	[tilespmem:$0x8100] =	vst v63  }
0x19: {  	_ =	swait.ge [sflag:s4], $0x100  }
0x1a: {  	[sflag:s4] =	ssyncset.done $0x0  }
0x1b: {  	[sflag:s4] =	ssyncadd.s32 $0xFFFFFF00  }
0x1c: {  	[tilespmem:s7], [sflag:$0x1] =	stream.indirect.gather [hbm4b:s1+s6], $0x80, s3, s6, $0xb8;
	[tilespmem:$0x8100] =	vst v63  }
0x1d: {  	_ = 	snop  }
0x1e: {  	[tilespmem:s8], [sflag:$0x1] =	stream.indirect.gather [hbm4b:s1+s6], $0x80, s6, s6, $0xb8;
	[tilespmem:$0x8100] =	vst v63  }
0x1f: {  	_ =	swait.ge [sflag:s9], $0x4000  }
0x20: {  	[sflag:s9] =	ssyncset.done $0x0  }
0x21: {  	[sflag:s9] =	ssyncadd.s32 $0xFFFFC000  }
0x22: {  	_ =	swait.ge [sflag:s9], $0x4000  }
.Ltmp1:
0x23: {  	[sflag:s9] =	ssyncset.done $0x0;
	(pc) =	sbr.rel @p0 .LBB2_1-.Ltmp1, $4  }
0x24: {  	[sflag:s9] =	ssyncadd.s32 $0xFFFFC000  }
0x25: {  	[hbm4b:s10+s3] =	stream.linear.scatter [tilespmem:s7], [sflag:$0x2], $0x8000, $0x38;
	[tilespmem:$0x8100] =	vst v63  }
0x26: {  	_ =	swait.ge [sflag:s4], $0x8000  }
0x27: {  	[sflag:s4] =	ssyncset.done $0x0  }
.LBB2_2:
0x28: {  	[sflag:s4] =	ssyncadd.s32 $0xFFFF8000  }
0x29: {  	_ =	sfence.sel $0x180000  }
0x2a: {  	[bflag:$0x0] =	sbarrier.arrive $0xFFFF  }
0x2b: {  	p0 =	sne.s32 s0, $0x0;
	_ =	strace $0x90000047  }
0x2c: {  	s0 =	sadd.s32 @!p0 $0x100000, s2;
	[bflag:$0x2] =	sbarrier.arrive $0xFFFF  }
0x2d: {  	[sflag:s0] =	ssyncadd.tile.s32 @!p0 $0x1;
	_ =	shalt  }
.Lfunc_end2:
_tile_overlayer_lowered:
.L_overlay_start_2:
0x2e: {  	(tag) =	ssettag $0x2  }
0x2f: {  	s0 =	rddreg [dreg:$0x0];
	s2 =	stileid.u32  }
0x30: {  	s1 =	rddreg [dreg:$0x1];
	p0 =	sne.s32 s2, $0x0  }
0x31: {  	s3 =	rddreg [dreg:$0x2];
	[bflag:$0x3] =	sbarrier.arrive $0xFFFF;
	s2 =	simm.s32 @!p0 $0x1C02  }
0x32: {  	[timem:s3], [sflag:s2] =	dma.local @!p0 [hbm:s0], s1  }
0x33: {  	s0 =	simm.s32 @!p0 $0x2  }
0x34: {  	_ =	swait.ge @!p0 [sflag:s0], s1  }
0x35: {  	s1 =	ssub.s32 @!p0 $0x0, s1;
	[sflag:s0] =	ssyncset.done @!p0 $0x0  }
0x36: {  	[sflag:s0] =	ssyncadd.s32 @!p0 s1  }
0x37: {  	[bflag:$0x3] =	sbarrier.arrive $0xFFFF  }
0x38: {  	_ =	shalt  }

</sc_bundles>
